<compile_context>
chip_gen: v7x
topology: tpu7x:2x2x1
jax: 0.10.2.dev20260603
libtpu: 0.0.44.dev20260713+nightly
codegen_flags: <defaults>
</compile_context>

<pallas_src>
import functools

import jax
import jax.numpy as jnp
from jax import lax
from jax.experimental import pallas as pl
from jax.experimental.pallas import tpu as pltpu
from jax.experimental.pallas import tpu_sc as plsc

_B = 32
_V = 1000000
_BV = 8192
_K = _BV // 128
_LOG2E = 1.4426950408889634
_LN2 = 0.6931471805599453


def _tc_body(rows_ref, act_ref, logits_ref, logp_ref, ent_ref, det_ref,
             s_ref, t_ref, m_ref, i_ref):
    i = pl.program_id(0)
    nb = pl.num_programs(0)

    @pl.when(i == 0)
    def _init():
        s_ref[...] = jnp.zeros((_B, 128), jnp.float32)
        t_ref[...] = jnp.zeros((_B, 128), jnp.float32)
        m_ref[...] = jnp.full((_B, 128), -jnp.inf, jnp.float32)
        i_ref[...] = jnp.zeros((_B, 128), jnp.int32)

    def run_chunks(masked):
        s = s_ref[...]
        t = t_ref[...]
        m = m_ref[...]
        ii = i_ref[...]
        lane = jax.lax.broadcasted_iota(jnp.int32, (_B, 128), 1)
        for k in range(_K):
            c = logits_ref[:, k * 128:(k + 1) * 128]
            if masked:
                col = i * _BV + k * 128 + lane
                c = jnp.where(col < _V, c, -1e30)
            y = c * _LOG2E
            e = jnp.exp2(y)
            s = s + e
            t = t + e * y
            upd = c > m
            m = jnp.maximum(m, c)
            ii = jnp.where(upd, i * _K + k, ii)
        s_ref[...] = s
        t_ref[...] = t
        m_ref[...] = m
        i_ref[...] = ii
        return s, t, m, ii

    @pl.when(i < nb - 1)
    def _fast():
        run_chunks(False)

    @pl.when(i == nb - 1)
    def _last():
        s, t, m, ii = run_chunks(True)
        lane = jax.lax.broadcasted_iota(jnp.int32, (_B, 128), 1)
        big_s = jnp.sum(s, axis=1, keepdims=True)
        big_t = jnp.sum(t, axis=1, keepdims=True) * _LN2
        log_s = jnp.log(big_s)
        brow = jax.lax.broadcasted_iota(jnp.int32, (_B, 1), 0)
        act_lane = (brow * _V + act_ref[...]) & 127
        la = jnp.sum(jnp.where(lane == act_lane, rows_ref[...], 0.0),
                     axis=1, keepdims=True)
        logp_ref[...] = la - log_s
        ent_ref[...] = log_s - big_t / big_s
        gm = jnp.max(m, axis=1, keepdims=True)
        col = ii * 128 + lane
        cand = jnp.where(m == gm, col, jnp.int32(2**31 - 1))
        det_ref[...] = jnp.min(cand, axis=1, keepdims=True)


@jax.jit
def _tc_run(logits, rows, actions_i32):
    nb = (_V + _BV - 1) // _BV
    small = pl.BlockSpec((_B, 1), lambda i: (0, 0))
    return pl.pallas_call(
        _tc_body,
        grid=(nb,),
        in_specs=[
            pl.BlockSpec((_B, 128), lambda i: (0, 0)),
            small,
            pl.BlockSpec((_B, _BV), lambda i: (0, i)),
        ],
        out_specs=(small, small, small),
        out_shape=(
            jax.ShapeDtypeStruct((_B, 1), jnp.float32),
            jax.ShapeDtypeStruct((_B, 1), jnp.float32),
            jax.ShapeDtypeStruct((_B, 1), jnp.int32),
        ),
        scratch_shapes=[
            pltpu.VMEM((_B, 128), jnp.float32),
            pltpu.VMEM((_B, 128), jnp.float32),
            pltpu.VMEM((_B, 128), jnp.float32),
            pltpu.VMEM((_B, 128), jnp.int32),
        ],
    )(rows, actions_i32, logits)


def _sc_body(logits2d, actions, out, act_v, row_v, rows_v, sem):
    c = lax.axis_index("c")
    s = lax.axis_index("s")

    @pl.when(jnp.logical_and(c == 0, s == 0))
    def _():
        pltpu.sync_copy(actions, act_v)
        for h in range(2):
            a16 = act_v[pl.ds(16 * h, 16)]
            b16 = lax.iota(jnp.int32, 16) + 16 * h
            flat = b16 * _V + a16
            row_v[pl.ds(16 * h, 16)] = flat >> 7
        pltpu.async_copy(logits2d.at[row_v], rows_v, sem).wait()
        pltpu.sync_copy(rows_v, out)


@jax.jit
def _sc_gather(logits, actions_i32):
    logits2d = logits.reshape(_B * _V // 128, 128)
    mesh = plsc.VectorSubcoreMesh(core_axis_name="c", subcore_axis_name="s")
    f = functools.partial(
        pl.kernel,
        mesh=mesh,
        out_type=jax.ShapeDtypeStruct((_B, 128), jnp.float32),
        scratch_types=[
            pltpu.VMEM((_B,), jnp.int32),
            pltpu.VMEM((_B,), jnp.int32),
            pltpu.VMEM((_B, 128), jnp.float32),
            pltpu.SemaphoreType.DMA,
        ],
    )(_sc_body)
    return f(logits2d, actions_i32.reshape(_B))


def kernel(logits, actions):
    actions_i32 = actions.astype(jnp.int32)
    rows = _sc_gather(logits, actions_i32)
    log_prob, entropy, deterministic = _tc_run(logits, rows, actions_i32)
    return log_prob, entropy, deterministic

# --- scband reference (transcript-rebuilt; emitter-appended) ---
"""Pipeline reference for scband-fixed-categorical-27041114095648 (READ-ONLY COPY).

The authoritative reference and input builder live on the scoring server;
editing this copy changes nothing except your own understanding.
"""

import jax, jax.numpy as jnp
import numpy as np

B = 32
V = 1000000

def setup_inputs(seed: int = 0) -> dict:
    key = jax.random.key(seed)
    k1, k2 = jax.random.split(key)
    logits = jax.random.normal(k1, (B, V), dtype=jnp.float32)
    actions = jax.random.randint(k2, (B, 1), 0, V, dtype=jnp.int64)
    return {"logits": logits, "actions": actions}

def reference(logits, actions):
    # FixedCategorical built from logits. Deterministic methods only
    # (sample() is stochastic and excluded from the reference):
    #   log_prob(actions): Categorical.log_prob on squeezed actions,
    #                      reshaped to (B, -1), summed over last dim, unsqueezed
    #   entropy(): Categorical.entropy, unsqueezed
    #   deterministic: probs.argmax(dim=-1, keepdim=True)
    logp = jax.nn.log_softmax(logits, axis=-1)            # [B, V]
    # log_prob of the given actions
    lp = jnp.take_along_axis(logp, actions, axis=-1)      # [B, 1]
    log_prob = lp.reshape(actions.shape[0], -1).sum(axis=-1)[:, None]  # [B, 1]
    # entropy = -sum p * log p
    p = jnp.exp(logp)
    entropy = (-(p * logp).sum(axis=-1))[:, None]          # [B, 1]
    # deterministic action = argmax over vocab
    deterministic = jnp.argmax(logits, axis=-1)[:, None]   # [B, 1] int
    return log_prob, entropy, deterministic

if __name__ == "__main__":
    import jax
    _d = setup_inputs()
    print(jax.jit(kernel)(*tuple(_d.values())))

</pallas_src>

<mosaic_0001>
#map = affine_map<(d0, d1) -> (0, 0)>
#map1 = affine_map<(d0, d1) -> (0)>
module attributes {stable_mosaic.version = 14 : i64} {
  func.func @_sc_body(%arg0: i32, %arg1: i32, %arg2: memref<250000x128xf32, #tpu.memory_space<hbm>>, %arg3: memref<32xi32, #tpu.memory_space<hbm>>, %arg4: memref<32x128xf32, #tpu.memory_space<hbm>>, %arg5: memref<32xi32, #tpu.memory_space<vmem>>, %arg6: memref<32xi32, #tpu.memory_space<vmem>>, %arg7: memref<32x128xf32, #tpu.memory_space<vmem>>, %arg8: memref<!tpu.dma_semaphore, #tpu.memory_space<semaphore_mem>>) attributes {dimension_semantics = [#tpu.dimension_semantics<core_parallel>, #tpu.dimension_semantics<subcore_parallel>], iteration_bounds = array<i64: 2, 16>, scalar_prefetch = 0 : i64, scratch_operands = 4 : i64, tpu.core_type = #tpu.core_type<sc_vector_subcore>, window_params = [{transform_indices = #map}, {transform_indices = #map1}, {transform_indices = #map}]} {
    %eq3A = arith.constant 0 : i32
    %eq3A_0 = arith.cmpi eq, %arg0, %eq3A : i32
    %eq3A_1 = arith.constant 0 : i32
    %eq3A_2 = arith.cmpi eq, %arg1, %eq3A_1 : i32
    %and3A = arith.andi %eq3A_0, %eq3A_2 : i1
    %convert_element_type3A = arith.extui %and3A : i1 to i32
    %cond3A = arith.constant 0 : i32
    %cond3A_3 = arith.cmpi ne, %convert_element_type3A, %cond3A : i32
    scf.if %cond3A_3 {
      "tpu.region"() ({
        %run_scoped3A = tpu.sem_alloc : memref<!tpu.dma_semaphore, #tpu.memory_space<semaphore_mem>>
        tpu.enqueue_dma source(%arg3 : memref<32xi32, #tpu.memory_space<hbm>>) target(%arg5 : memref<32xi32, #tpu.memory_space<vmem>>) target_semaphore(%run_scoped3A : memref<!tpu.dma_semaphore, #tpu.memory_space<semaphore_mem>>)
        tpu.wait_dma2 semaphore(%run_scoped3A : memref<!tpu.dma_semaphore, #tpu.memory_space<semaphore_mem>>) src(%arg3 : memref<32xi32, #tpu.memory_space<hbm>>) dst(%arg5 : memref<32xi32, #tpu.memory_space<vmem>>)
        tpu.yield
      }) : () -> ()
      %get3A = arith.constant 0 : index
      %get3A_4 = tpu.vector_load %arg5[%get3A] {strides = array<i32>} : memref<32xi32, #tpu.memory_space<vmem>>, vector<16xi32>,
      %get3A_5 = vector.shape_cast %get3A_4 : vector<16xi32> to vector<16xi32>
      %iota3A = tpu.iota {dimensions = array<i32: 0>} : vector<16xi32>
      %add3A = arith.constant 0 : i32
      %add3A_6 = vector.broadcast %add3A : i32 to vector<16xi32>
      %add3A_7 = arith.addi %iota3A, %add3A_6 : vector<16xi32>
      %mul3A = arith.constant 1000000 : i32
      %mul3A_8 = vector.broadcast %mul3A : i32 to vector<16xi32>
      %mul3A_9 = arith.muli %add3A_7, %mul3A_8 : vector<16xi32>
      %add3A_10 = arith.addi %mul3A_9, %get3A_5 : vector<16xi32>
      %shift_right_arithmetic3A = arith.constant 7 : i32
      %shift_right_arithmetic3A_11 = vector.broadcast %shift_right_arithmetic3A : i32 to vector<16xi32>
      %shift_right_arithmetic3A_12 = arith.shrsi %add3A_10, %shift_right_arithmetic3A_11 : vector<16xi32>
      %swap3A = arith.constant 0 : index
      %swap3A_13 = tpu.vector_load %arg6[%swap3A] {strides = array<i32>} : memref<32xi32, #tpu.memory_space<vmem>>, vector<16xi32>,
      %swap3A_14 = vector.shape_cast %swap3A_13 : vector<16xi32> to vector<16xi32>
      %swap3A_15 = vector.shape_cast %shift_right_arithmetic3A_12 : vector<16xi32> to vector<16xi32>
      tpu.vector_store %arg6[%swap3A], %swap3A_15 {strides = array<i32>} : memref<32xi32, #tpu.memory_space<vmem>>, vector<16xi32>,
      %get3A_16 = arith.constant 16 : index
      %get3A_17 = tpu.vector_load %arg5[%get3A_16] {strides = array<i32>} : memref<32xi32, #tpu.memory_space<vmem>>, vector<16xi32>,
      %get3A_18 = vector.shape_cast %get3A_17 : vector<16xi32> to vector<16xi32>
      %iota3A_19 = tpu.iota {dimensions = array<i32: 0>} : vector<16xi32>
      %add3A_20 = arith.constant 16 : i32
      %add3A_21 = vector.broadcast %add3A_20 : i32 to vector<16xi32>
      %add3A_22 = arith.addi %iota3A_19, %add3A_21 : vector<16xi32>
      %mul3A_23 = arith.constant 1000000 : i32
      %mul3A_24 = vector.broadcast %mul3A_23 : i32 to vector<16xi32>
      %mul3A_25 = arith.muli %add3A_22, %mul3A_24 : vector<16xi32>
      %add3A_26 = arith.addi %mul3A_25, %get3A_18 : vector<16xi32>
      %shift_right_arithmetic3A_27 = arith.constant 7 : i32
      %shift_right_arithmetic3A_28 = vector.broadcast %shift_right_arithmetic3A_27 : i32 to vector<16xi32>
      %shift_right_arithmetic3A_29 = arith.shrsi %add3A_26, %shift_right_arithmetic3A_28 : vector<16xi32>
      %swap3A_30 = arith.constant 16 : index
      %swap3A_31 = tpu.vector_load %arg6[%swap3A_30] {strides = array<i32>} : memref<32xi32, #tpu.memory_space<vmem>>, vector<16xi32>,
      %swap3A_32 = vector.shape_cast %swap3A_31 : vector<16xi32> to vector<16xi32>
      %swap3A_33 = vector.shape_cast %shift_right_arithmetic3A_29 : vector<16xi32> to vector<16xi32>
      tpu.vector_store %arg6[%swap3A_30], %swap3A_33 {strides = array<i32>} : memref<32xi32, #tpu.memory_space<vmem>>, vector<16xi32>,
      %dma_start3A = arith.constant 0 : i32
      %dma_start3A_34 = arith.constant 0 : i32
      %dma_start3A_35 = tpu.memref_slice %arg2[%dma_start3A, %dma_start3A_34] : memref<250000x128xf32, #tpu.memory_space<hbm>> -> memref<250000x128xf32, #tpu.memory_space<hbm>>
      tpu.enqueue_indirect_dma source(%dma_start3A_35 : memref<250000x128xf32, #tpu.memory_space<hbm>>) target(%arg7 : memref<32x128xf32, #tpu.memory_space<vmem>>) offsets(%arg6 : memref<32xi32, #tpu.memory_space<vmem>>) semaphore(%arg8 : memref<!tpu.dma_semaphore, #tpu.memory_space<semaphore_mem>>)
      %dma_wait3A = arith.constant 0 : i32
      %dma_wait3A_36 = arith.constant 0 : i32
      %dma_wait3A_37 = tpu.memref_slice %arg2[%dma_wait3A, %dma_wait3A_36] : memref<250000x128xf32, #tpu.memory_space<hbm>> -> memref<250000x128xf32, #tpu.memory_space<hbm>>
      tpu.wait_indirect_dma semaphore(%arg8 : memref<!tpu.dma_semaphore, #tpu.memory_space<semaphore_mem>>) src(%dma_wait3A_37 : memref<250000x128xf32, #tpu.memory_space<hbm>>) dst(%arg7 : memref<32x128xf32, #tpu.memory_space<vmem>>)
      "tpu.region"() ({
        %run_scoped3A = tpu.sem_alloc : memref<!tpu.dma_semaphore, #tpu.memory_space<semaphore_mem>>
        tpu.enqueue_dma source(%arg7 : memref<32x128xf32, #tpu.memory_space<vmem>>) target(%arg4 : memref<32x128xf32, #tpu.memory_space<hbm>>) target_semaphore(%run_scoped3A : memref<!tpu.dma_semaphore, #tpu.memory_space<semaphore_mem>>)
        tpu.wait_dma2 semaphore(%run_scoped3A : memref<!tpu.dma_semaphore, #tpu.memory_space<semaphore_mem>>) src(%arg7 : memref<32x128xf32, #tpu.memory_space<vmem>>) dst(%arg4 : memref<32x128xf32, #tpu.memory_space<hbm>>)
        tpu.yield
      }) : () -> ()
    } else {
    }
    return
  }
}

</mosaic_0001>

<sc_bundles>
// kernel: _sc_gather.3.cloned.1.call-start
scs
__scs_entry_jumppad:
0x0: {  	(pc) =	sbr.rel $0x88, $3  }
0x1: {  	(tag) =	ssettag $0x0;
	lr =	simm.s32 $0x1  }
0x2: {  	[smem:$0x3F9F] =	sst lr;
	_ =	strace $0xD0000000  }
0x3: {  	_ = 	snop  }
0x4: {  	_ = 	snop  }
0x5: {  	_ = 	snop  }
0x6: {  	_ = 	snop  }
0x7: {  	_ = 	snop  }
__scs_overlays_trampoline_lowered:
0x8: {  	[smem:$0x3FAE] =	sst s0  }
0x9: {  	[smem:$0x3FAF] =	sst s1  }
0xa: {  	[smem:$0x3FB0] =	sst s2  }
0xb: {  	[smem:$0x3FB1] =	sst s3  }
0xc: {  	[smem:$0x3FB2] =	sst s4  }
0xd: {  	[smem:$0x3FB3] =	sst s5  }
0xe: {  	[smem:$0x3FB4] =	sst s6  }
0xf: {  	[smem:$0x3FB5] =	sst s7  }
0x10: {  	[smem:$0x3FB6] =	sst s8  }
0x11: {  	[smem:$0x3FB7] =	sst s9;
	s0 =	simm.s32 @!p0 $0x0  }
0x12: {  	s1 =	sld [smem:$0x3F9D];
	s0 =	simm.s32 @p0 $0x1  }
0x13: {  	[smem:$0x3FB8] =	sst s0;
	s0 =	simm.s32 @!p1 $0x0  }
0x14: {  	s2 =	sld [smem:$0x3F9C];
	s0 =	simm.s32 @p1 $0x1  }
0x15: {  	[smem:$0x3FB9] =	sst s0;
	s0 =	simm.s32 @!p2 $0x0  }
0x16: {  	s3 =	sld [smem:$0x3FDB];
	s0 =	simm.s32 @p2 $0x1  }
0x17: {  	s4 =	simm.s32 $0x1BF5;
	[smem:$0x3FBB] =	sst s0  }
0x18: {  	s0 =	sld [smem:$0x3F9E];
	_ =	swait.ge [sflag:s4], $0x0  }
0x19: {  	s7 =	sld [smem:$0x3F9F]  }
0x1a: {  	s8 =	sadd.s32 $0xFFFFE003, lr  }
0x1b: {  	s9 =	sadd.s32 $0xFFFFFEF7, lr;
	s5 =	simm.s32 $0xFFFFFFFF;
	p2 =	slt.u32 s8, $0xFFFFF086  }
0x1c: {  	p1 =	slt.u32 s9, $0xF7A;
	s5 =	simm.s32 @!p2 $0x0  }
0x1d: {  	s5 =	simm.s32 @p1 $0x1;
	p0 =	seq.s32 s7, s2  }
0x1e: {  	s7 =	smul.u32 @!p0 $0xF7A, s2;
	p2 =	seq.s32 @!p0 s5, $0x0  }
0x1f: {  	s9 =	smul.u32 $0xF7A, s1;
	s8 =	simm.s32 @!p0 $0x1BF5;
	p2 =	por !p2, p0  }
0x20: {  	[sflag:s8] =	ssyncset.s32 @!p0 $0xFFFFF086;
	s6 =	sadd.s32 @!p0 s3, s7;
	s7 =	simm.s32 @!p0 $0x108  }
0x21: {  	s3 =	sadd.s32 s3, s9;
	s6 =	sadd.s32 @!p0 $0x88, s6;
	s7 =	simm.s32 @p2 $0x1082  }
0x22: {  	[simem:s7], [sflag:s8] =	dma.local @!p0 [hbm:s6], $0xF7A  }
0x23: {  	s9 =	sor.u32 $0xD0000000, s2;
	s6 =	simm.s32 $0x108;
	_ =	swait.ge @!p0 [sflag:s8], $0x0  }
0x24: {  	s3 =	sadd.s32 $0x88, s3;
	s6 =	simm.s32 @!p1 $0x1082;
	[sflag:s4] =	ssyncset.s32 $0xFFFFF086  }
0x25: {  	[simem:s6], [sflag:s4] =	dma.local [hbm:s3], $0xF7A  }
0x26: {  	[smem:$0x3F9F] =	sst s1;
	(tag) =	ssettag s2;
	_ =	strace s9  }
0x27: {  	s1 =	sld [smem:$0x3FAF]  }
0x28: {  	s2 =	sld [smem:$0x3FB0]  }
0x29: {  	s4 =	sld [smem:$0x3FB2]  }
0x2a: {  	p0 =	seq.s32 s5, $0x0;
	s5 =	sld [smem:$0x3FB3]  }
0x2b: {  	s6 =	sld [smem:$0x3FB4]  }
0x2c: {  	s7 =	sld [smem:$0x3FB5]  }
0x2d: {  	s3 =	simm.s32 $0x108;
	s8 =	sld [smem:$0x3FB6]  }
0x2e: {  	s3 =	simm.s32 @!p0 $0x1082;
	s9 =	sld [smem:$0x3FB7]  }
0x2f: {  	lr =	sadd.s32 s0, s3;
	s0 =	sld [smem:$0x3FAE]  }
0x30: {  	s3 =	sld [smem:$0x3FB1]  }
0x31: {  	[smem:$0x3FBA] =	sst s10  }
0x32: {  	s10 =	sld [smem:$0x3FB8];
	_ =	sdelay $0x3  }
0x33: {  	p0 =	seq.s32 s10, $0x1;
	s10 =	sld [smem:$0x3FBA];
	_ =	sdelay $0x3  }
0x34: {  	[smem:$0x3FBA] =	sst s10  }
0x35: {  	s10 =	sld [smem:$0x3FB9];
	_ =	sdelay $0x3  }
0x36: {  	p1 =	seq.s32 s10, $0x1;
	s10 =	sld [smem:$0x3FBA];
	_ =	sdelay $0x3  }
0x37: {  	[smem:$0x3FBA] =	sst s10  }
0x38: {  	s10 =	sld [smem:$0x3FBB]  }
0x39: {  	_ = 	snop;
	(pc) =	sbr.ind lr, $3  }
0x3a: {  	_ = 	snop  }
0x3b: {  	_ = 	snop  }
0x3c: {  	p2 =	seq.s32 s10, $0x1;
	s10 =	sld [smem:$0x3FBA]  }
0x3d: {  	_ =	shalt  }
0x3e: {  	_ =	shalt  }
0x3f: {  	_ =	shalt  }
0x40: {  	_ =	shalt  }
0x41: {  	_ =	shalt  }
0x42: {  	_ =	shalt  }
0x43: {  	_ =	shalt  }
0x44: {  	_ =	shalt  }
0x45: {  	_ =	shalt  }
0x46: {  	_ =	shalt  }
0x47: {  	_ =	shalt  }
0x48: {  	_ =	shalt  }
0x49: {  	_ =	shalt  }
0x4a: {  	_ =	shalt  }
0x4b: {  	_ =	shalt  }
0x4c: {  	_ =	shalt  }
0x4d: {  	_ =	shalt  }
0x4e: {  	_ =	shalt  }
0x4f: {  	_ =	shalt  }
0x50: {  	_ =	shalt  }
0x51: {  	_ =	shalt  }
0x52: {  	_ =	shalt  }
0x53: {  	_ =	shalt  }
0x54: {  	_ =	shalt  }
0x55: {  	_ =	shalt  }
0x56: {  	_ =	shalt  }
0x57: {  	_ =	shalt  }
0x58: {  	_ =	shalt  }
0x59: {  	_ =	shalt  }
0x5a: {  	_ =	shalt  }
0x5b: {  	_ =	shalt  }
0x5c: {  	_ =	shalt  }
0x5d: {  	_ =	shalt  }
0x5e: {  	_ =	shalt  }
0x5f: {  	_ =	shalt  }
0x60: {  	_ =	shalt  }
0x61: {  	_ =	shalt  }
0x62: {  	_ =	shalt  }
0x63: {  	_ =	shalt  }
0x64: {  	_ =	shalt  }
0x65: {  	_ =	shalt  }
0x66: {  	_ =	shalt  }
0x67: {  	_ =	shalt  }
0x68: {  	_ =	shalt  }
0x69: {  	_ =	shalt  }
0x6a: {  	_ =	shalt  }
0x6b: {  	_ =	shalt  }
0x6c: {  	_ =	shalt  }
0x6d: {  	_ =	shalt  }
0x6e: {  	_ =	shalt  }
0x6f: {  	_ =	shalt  }
0x70: {  	_ =	shalt  }
0x71: {  	_ =	shalt  }
0x72: {  	_ =	shalt  }
0x73: {  	_ =	shalt  }
0x74: {  	_ =	shalt  }
0x75: {  	_ =	shalt  }
0x76: {  	_ =	shalt  }
0x77: {  	_ =	shalt  }
0x78: {  	_ =	shalt  }
0x79: {  	_ =	shalt  }
0x7a: {  	_ =	shalt  }
0x7b: {  	_ =	shalt  }
0x7c: {  	_ =	shalt  }
0x7d: {  	_ =	shalt  }
0x7e: {  	_ =	shalt  }
0x7f: {  	_ =	shalt  }
0x80: {  	_ =	shalt  }
0x81: {  	_ =	shalt  }
0x82: {  	_ =	shalt  }
0x83: {  	_ =	shalt  }
0x84: {  	_ =	shalt  }
0x85: {  	_ =	shalt  }
0x86: {  	_ =	shalt  }
0x87: {  	_ =	shalt  }
.Lfunc_end0:
.L_simem_size_0:
called_computation_lowered:
.L_overlay_start_0:
0x88: {  	s2 =	sld [smem:$0x3FD9]  }
0x89: {  	s3 =	sld [smem:$0x3FFE];
	_ =	sdelay $0x1  }
0x8a: {  	s1 =	srdreg.scid  }
0x8b: {  	s0 =	sand.u32 $0x1, s1  }
0x8c: {  	s17 =	sshll.u32 s0, $0xA;
	s2 =	sadd.s32 s3, s2  }
0x8d: {  	s2 =	sadd.s32 s2, s17  }
0x8e: {  	[smem:$0x3FC6] =	sst s2  }
0x8f: {  	_ = 	snop  }
0x90: {  	s2 =	sld [smem:$0x3FC8]  }
0x91: {  	s18 =	sld [smem:$0x3FD0];
	(tm) =	ssettm $0x1  }
0x92: {  	s4 =	sld [smem:$0x3FFB];
	_ =	sdelay $0x3  }
0x93: {  	_ =	strace s4  }
0x94: {  	s4 =	sld [smem:$0x3FFC];
	_ =	sdelay $0x3  }
0x95: {  	_ =	strace s4  }
0x96: {  	s4 =	sld [smem:$0x3FFD];
	_ =	sdelay $0x3  }
0x97: {  	_ =	strace s4  }
0x98: {  	_ =	strace $0x8FFFFFFF  }
0x99: {  	s19 =	sld [smem:$0x3FDB];
	_ =	sdelay $0x1  }
0x9a: {  	s5 =	simm.s32 $_scs_section_size  }
0x9b: {  	s6 =	simm.s32 $_size__tile_overlayer_lowered;
	s7 =	simm.s32 $_tile_overlayer_lowered  }
0x9c: {  	s22 =	simm.s32 $0x1BFF;
	s21 =	sshll.u32 s7, $0x1;
	s4 =	sadd.s32 s5, s19  }
0x9d: {  	s8 =	simm.s32 $0x0;
	s20 =	sshll.u32 s6, $0x1;
	s6 =	sadd.s32 s21, s4  }
0x9e: {  	[timem:s8], [sflag:s22] =	dma.local [hbm:s6], s20  }
0x9f: {  	_ =	swait.ge [sflag:s22], s20  }
0xa0: {  	s5 =	ssub.s32 $0x0, s20;
	[sflag:s22] =	ssyncset.done $0x0  }
0xa1: {  	[sflag:s22] =	ssyncadd.s32 s5;
	_ =	sdelay $0x1  }
0xa2: {  	s23 =	simm.s32 $0x1B8B  }
0xa3: {  	_ =	swait.ge [sflag:s23], $0x1  }
0xa4: {  	[sflag:s23] =	ssyncset.done $0x0  }
0xa5: {  	s25 =	simm.s32 $0x1B8E;
	s24 =	sld [smem:$0x3FFE];
	[sflag:s23] =	ssyncadd.s32 $0xFFFFFFFF  }
0xa6: {  	s26 =	simm.s32 $execute0_lowered;
	[smem:$0x3FD2] =	sst s25  }
0xa7: {  	s6 =	sshll.u32 s26, $0x1;
	_ =	strace $0x80000046;
	[dreg:$0x1] =	wrdreg $0xFFFFFFFF  }
0xa8: {  	s28 =	simm.s32 $_size_execute0_lowered;
	s4 =	sadd.s32 s4, s6;
	[dreg:$0x0] =	wrdreg $0x0  }
0xa9: {  	s6 =	sshll.u32 s28, $0x1;
	[dreg:$0x2] =	wrdreg s4  }
0xaa: {  	[dreg:$0x3] =	wrdreg s6  }
0xab: {  	[dreg:$0x4] =	wrdreg $0xC0  }
0xac: {  	_ =	task [dreg:s8], $0x5FFFF  }
0xad: {  	[dreg:$0x1] =	wrdreg $0xFFFFFFFF  }
0xae: {  	[dreg:$0x0] =	wrdreg $0x60  }
0xaf: {  	[dreg:$0x2] =	wrdreg s24  }
0xb0: {  	[dreg:$0x3] =	wrdreg s2  }
0xb1: {  	[dreg:$0x4] =	wrdreg s18  }
0xb2: {  	[dreg:$0x5] =	wrdreg $0x9  }
0xb3: {  	_ =	task.clear_ibuf [dreg:s8], $0x6FFFF;
	_ =	strace $0x90000046  }
0xb4: {  	s29 =	simm.s32 $0x9;
	_ =	strace $0x80000048  }
0xb5: {  	_ =	swait.ge [sflag:s29], $0x1  }
0xb6: {  	[sflag:s29] =	ssyncadd.s32 $0xFFFFFFFF  }
0xb7: {  	_ =	strace $0x90000048  }
0xb8: {  	_ =	sfence  }
0xb9: {  	s30 =	sld [smem:$0x0];
	_ =	sdelay $0x2  }
0xba: {  	s31 =	sshll.u32 s1, $0xD;
	s1 =	sshrl.u32 s1, $0x2  }
0xbb: {  	s3 =	sand.u32 $0x4000, s31;
	s1 =	sadd.s32 s1, s30  }
0xbc: {  	s0 =	sor.u32 s3, s0;
	s1 =	sshll.u32 s1, $0x11  }
0xbd: {  	s0 =	sor.u32 s1, s0  }
0xbe: {  	s0 =	sadd.s32 $0x8F2B, s0  }
0xbf: {  	[sflag:s0] =	ssyncadd.remote.s32 $0x1  }
0xc0: {  	_ =	sfence.sel $0xFFFF  }
0xc1: {  	[dreg:$0x0] =	wrdreg $0xFFFFFFFF;
	(pc) =	sbr.abs _section_cstart, $3  }
0xc2: {  	[dreg:$0x1] =	wrdreg $0xFFFFFFFF  }
0xc3: {  	_ =	task.clear_ibuf [dreg:s8], $0x2FFFF;
	_ =	strace $0x9FFFFFFF  }
0xc4: {  	(tm) =	ssettm $0x7FFFFFFF  }
0xc5: {  	_ =	shalt  }
tec
execute0_lowered:
.L_overlay_start_1:
0x0: {  	(tag) =	ssettag $0x1  }
0x1: {  	s0 =	srdreg.scid  }
0x2: {  	s11 =	sand.u32 $0x1, s0;
	s0 =	stileid.u32  }
0x3: {  	s4 =	sor.u32 s0, s11  }
0x4: {  	p0 =	sne.s32 s4, $0x0  }
.Ltmp0:
0x5: {  	_ = 	snop;
	(pc) =	sbr.rel @p0 .LBB2_4-.Ltmp0, $4  }
0x6: {  	s6 =	rddreg [dreg:$0x0]  }
0x7: {  	s2 =	rddreg [dreg:$0x1]  }
0x8: {  	s3 =	rddreg [dreg:$0x2]  }
0x9: {  	s1 =	rddreg [dreg:$0x3];
	_ =	strace $0x80000047  }
0xa: {  	s5 =	simm.s32 $0x0;
	s4 =	simm.s32 $0x2  }
0xb: {  	[tilespmem:s5], [sflag:$0x2] =	stream.linear.gather [hbm4b:s2+s5], $0x80, $0x38;
	[tilespmem:$0x1100] =	vst v63  }
0xc: {  	_ =	swait.ge [sflag:s4], $0x80  }
0xd: {  	[sflag:s4] =	ssyncset.done $0x0  }
0xe: {  	[sflag:s4] =	ssyncadd.s32 $0xFFFFFF80  }
0xf: {  	v2 =	vld [tilespmem:$0x0]  }
0x10: {  	v3 =	vld [tilespmem:$0x10]  }
0x11: {  	v0 =	vlaneseq.u32  }
0x12: {  	v0 =	vmul.u32 $0xF4240, v0;
	_ =	sdelay $0x1  }
0x13: {  	s11 =	ssub.s32 $0x2, s11;
	v1 =	vadd.s32 $0xF42400, v0;
	v2 =	vadd.s32 v0, v2  }
0x14: {  	s6 =	sadd.s32 $0x3D0C00, s6;
	s12 =	sshrl.u32 s11, $0x1;
	v3 =	vadd.s32 v1, v3;
	v2 =	vshra.s32 v2, $0x7  }
0x15: {  	s7 =	simm.s32 $0x20;
	s8 =	simm.s32 $0x80;
	s11 =	ssub.s32 s11, s12;
	[tilespmem:$0x80] =	vst v2;
	v2 =	vshra.s32 v3, $0x7  }
0x16: {  	s9 =	simm.s32 $0x100;
	s10 =	simm.s32 $0x1;
	p0 =	sne.s32 s11, $0x1;
	[tilespmem:$0x90] =	vst v2  }
0x17: {  	[tilespmem:s9], [sflag:$0x1] =	stream.indirect.gather [hbm4b:s6+s7], $0x80, s8, s7, $0xb8;
	[tilespmem:$0x1100] =	vst v63  }
.Ltmp1:
0x18: {  	_ =	swait.ge [sflag:s10], $0x1000;
	(pc) =	sbr.rel @!p0 .LBB2_3-.Ltmp1, $4  }
0x19: {  	[sflag:s10] =	ssyncset.done $0x0  }
0x1a: {  	[sflag:s10] =	ssyncadd.s32 $0xFFFFF000  }
0x1b: {  	[hbm4b:s3+s5] =	stream.linear.scatter [tilespmem:s9], [sflag:$0x2], $0x1000, $0x38;
	[tilespmem:$0x1100] =	vst v63  }
0x1c: {  	s11 =	sadd.s32 $0xFFFFFFFF, s11;
	_ =	swait.ge [sflag:s4], $0x1000  }
.LBB2_2:
0x1d: {  	p0 =	sne.s32 s11, $0x1;
	s11 =	sadd.s32 $0xFFFFFFFF, s11;
	[sflag:s4] =	ssyncset.done $0x0  }
0x1e: {  	[sflag:s4] =	ssyncadd.s32 $0xFFFFF000  }
0x1f: {  	[tilespmem:s5], [sflag:$0x2] =	stream.linear.gather [hbm4b:s2+s5], $0x80, $0x38;
	[tilespmem:$0x1100] =	vst v63  }
0x20: {  	_ =	swait.ge [sflag:s4], $0x80  }
0x21: {  	[sflag:s4] =	ssyncset.done $0x0  }
0x22: {  	[sflag:s4] =	ssyncadd.s32 $0xFFFFFF80  }
0x23: {  	v2 =	vld [tilespmem:$0x0]  }
0x24: {  	v3 =	vld [tilespmem:$0x10];
	_ =	sdelay $0x3  }
0x25: {  	v2 =	vadd.s32 v0, v2  }
0x26: {  	v2 =	vshra.s32 v2, $0x7;
	v3 =	vadd.s32 v1, v3  }
0x27: {  	[tilespmem:$0x80] =	vst v2;
	v2 =	vshra.s32 v3, $0x7  }
0x28: {  	[tilespmem:$0x90] =	vst v2  }
0x29: {  	[tilespmem:s9], [sflag:$0x1] =	stream.indirect.gather [hbm4b:s6+s7], $0x80, s8, s7, $0xb8;
	[tilespmem:$0x1100] =	vst v63  }
.Ltmp2:
0x2a: {  	_ =	swait.ge [sflag:s10], $0x1000;
	(pc) =	sbr.rel @p0 .LBB2_2-.Ltmp2, $4  }
0x2b: {  	[sflag:s10] =	ssyncset.done $0x0  }
0x2c: {  	[sflag:s10] =	ssyncadd.s32 $0xFFFFF000  }
0x2d: {  	[hbm4b:s3+s5] =	stream.linear.scatter [tilespmem:s9], [sflag:$0x2], $0x1000, $0x38;
	[tilespmem:$0x1100] =	vst v63  }
0x2e: {  	_ =	swait.ge [sflag:s4], $0x1000  }
.LBB2_3:
0x2f: {  	[sflag:s4] =	ssyncset.done $0x0  }
0x30: {  	[sflag:s4] =	ssyncadd.s32 $0xFFFFF000  }
.LBB2_4:
0x31: {  	_ =	sfence.sel $0x180000  }
0x32: {  	[bflag:$0x0] =	sbarrier.arrive $0xFFFF  }
0x33: {  	p0 =	sne.s32 s0, $0x0;
	_ =	strace $0x90000047  }
0x34: {  	s0 =	sadd.s32 @!p0 $0x100000, s1;
	[bflag:$0x2] =	sbarrier.arrive $0xFFFF  }
0x35: {  	[sflag:s0] =	ssyncadd.tile.s32 @!p0 $0x1;
	_ =	shalt  }
.Lfunc_end2:
_tile_overlayer_lowered:
.L_overlay_start_2:
0x36: {  	(tag) =	ssettag $0x2  }
0x37: {  	s0 =	rddreg [dreg:$0x0];
	s2 =	stileid.u32  }
0x38: {  	s1 =	rddreg [dreg:$0x1];
	p0 =	sne.s32 s2, $0x0  }
0x39: {  	s3 =	rddreg [dreg:$0x2];
	[bflag:$0x3] =	sbarrier.arrive $0xFFFF;
	s2 =	simm.s32 @!p0 $0x1C02  }
0x3a: {  	[timem:s3], [sflag:s2] =	dma.local @!p0 [hbm:s0], s1  }
0x3b: {  	s0 =	simm.s32 @!p0 $0x2  }
0x3c: {  	_ =	swait.ge @!p0 [sflag:s0], s1  }
0x3d: {  	s1 =	ssub.s32 @!p0 $0x0, s1;
	[sflag:s0] =	ssyncset.done @!p0 $0x0  }
0x3e: {  	[sflag:s0] =	ssyncadd.s32 @!p0 s1  }
0x3f: {  	[bflag:$0x3] =	sbarrier.arrive $0xFFFF  }
0x40: {  	_ =	shalt  }

</sc_bundles>
